<compile_context>
chip_gen: v7x
topology: tpu7x:2x2x1
jax: 0.10.2.dev20260603
libtpu: 0.0.44.dev20260713+nightly
codegen_flags: <defaults>
</compile_context>

<pallas_src>
import jax
import jax.numpy as jnp
from jax import lax
from jax.experimental import pallas as pl
from jax.experimental.pallas import tpu as pltpu
from jax.experimental.pallas import tpu_sc as plsc

VOCAB_SZ = 400005
EMBED_SZ = 300
BATCH = 4096
SEQ = 200

_DP = 304
_NC = 2
_NS = 16
_NW = _NC * _NS
_B = BATCH * SEQ
_BPW = _B // _NW
_CHUNK = 80
_NCHUNKS = _BPW // _CHUNK
_NBUF = 2


def _gather_body(idx_hbm, table_hbm, out_hbm, idx_v, rows_v,
                 isems, gsems, osems):
    wid = lax.axis_index("s") * _NC + lax.axis_index("c")
    base = wid * _BPW

    def start_idx(c, buf):
        pltpu.async_copy(idx_hbm.at[pl.ds(base + c * _CHUNK, _CHUNK)],
                         idx_v.at[buf], isems.at[buf])

    def step(c, carry):
        buf = lax.rem(c, _NBUF)
        pltpu.make_async_copy(idx_hbm.at[pl.ds(0, _CHUNK)], idx_v.at[buf],
                              isems.at[buf]).wait()
        pltpu.async_copy(table_hbm.at[idx_v.at[buf]], rows_v.at[buf],
                         gsems.at[buf]).wait()

        @pl.when(c + _NBUF < _NCHUNKS)
        def _():
            start_idx(c + _NBUF, buf)

        @pl.when(c >= _NBUF)
        def _():
            pltpu.make_async_copy(rows_v.at[buf], out_hbm.at[pl.ds(0, _CHUNK)],
                                  osems.at[buf]).wait()

        pltpu.async_copy(rows_v.at[buf], out_hbm.at[pl.ds(base + c * _CHUNK, _CHUNK)],
                         osems.at[buf])
        return carry

    for b in range(_NBUF):
        start_idx(b, b)
    lax.fori_loop(0, _NCHUNKS, step, 0)
    for b in range(_NBUF):
        buf = (_NCHUNKS - 1 - b) % _NBUF
        pltpu.make_async_copy(rows_v.at[buf], out_hbm.at[pl.ds(0, _CHUNK)],
                              osems.at[buf]).wait()


@jax.jit
def kernel(x, embed_weight):
    idx = x.reshape(_B).astype(jnp.int32)
    table_p = jnp.pad(embed_weight, ((0, 0), (0, _DP - EMBED_SZ)))
    mesh = plsc.VectorSubcoreMesh(core_axis_name="c", subcore_axis_name="s")
    out = pl.kernel(
        _gather_body,
        out_type=jax.ShapeDtypeStruct((_B, _DP), jnp.float32),
        mesh=mesh,
        scratch_types=[
            pltpu.VMEM((_NBUF, _CHUNK), jnp.int32),
            pltpu.VMEM((_NBUF, _CHUNK, _DP), jnp.float32),
            pltpu.SemaphoreType.DMA((_NBUF,)),
            pltpu.SemaphoreType.DMA((_NBUF,)),
            pltpu.SemaphoreType.DMA((_NBUF,)),
        ],
        compiler_params=pltpu.CompilerParams(use_tc_tiling_on_sc=False),
    )(idx, table_p)
    return out[:, :EMBED_SZ].reshape(BATCH, SEQ, EMBED_SZ)

# --- scband reference (transcript-rebuilt; emitter-appended) ---
"""Pipeline reference for scband-glove-bow-encoder-15040975470858 (READ-ONLY COPY).

The authoritative reference and input builder live on the scoring server;
editing this copy changes nothing except your own understanding.
"""

import jax, jax.numpy as jnp
import numpy as np

VOCAB_SZ = 400005
EMBED_SZ = 300
BATCH = 4096
SEQ = 200

def setup_inputs(seed: int = 0) -> dict:
    key = jax.random.key(seed)
    k_idx, k_emb = jax.random.split(key)
    x = jax.random.randint(k_idx, (BATCH, SEQ), 0, VOCAB_SZ, dtype=jnp.int64 if jax.config.jax_enable_x64 else jnp.int32)
    # Pretrained (frozen) GloVe embedding table, simulated with random normals
    embed_weight = jax.random.normal(k_emb, (VOCAB_SZ, EMBED_SZ), dtype=jnp.float32)
    return {"x": x, "embed_weight": embed_weight}

def reference(x, embed_weight):
    # GloveBowEncoder.forward: return self.embed(x)
    # nn.Embedding lookup == row gather from the table
    return jnp.take(embed_weight, x, axis=0)

if __name__ == "__main__":
    import jax
    _d = setup_inputs()
    print(jax.jit(kernel)(*tuple(_d.values())))

</pallas_src>

<mosaic_0001>
#map = affine_map<(d0, d1) -> (0)>
#map1 = affine_map<(d0, d1) -> (0, 0)>
module attributes {stable_mosaic.version = 14 : i64} {
  func.func @_gather_body(%arg0: i32, %arg1: i32, %arg2: memref<819200xi32, #tpu.memory_space<hbm>>, %arg3: memref<400005x304xf32, #tpu.memory_space<hbm>>, %arg4: memref<819200x304xf32, #tpu.memory_space<hbm>>, %arg5: memref<2x80xi32, #tpu.memory_space<vmem>>, %arg6: memref<2x80x304xf32, #tpu.memory_space<vmem>>, %arg7: memref<2x!tpu.dma_semaphore, #tpu.memory_space<semaphore_mem>>, %arg8: memref<2x!tpu.dma_semaphore, #tpu.memory_space<semaphore_mem>>, %arg9: memref<2x!tpu.dma_semaphore, #tpu.memory_space<semaphore_mem>>) attributes {dimension_semantics = [#tpu.dimension_semantics<core_parallel>, #tpu.dimension_semantics<subcore_parallel>], iteration_bounds = array<i64: 2, 16>, scalar_prefetch = 0 : i64, scratch_operands = 5 : i64, tpu.core_type = #tpu.core_type<sc_vector_subcore>, window_params = [{transform_indices = #map}, {transform_indices = #map1}, {transform_indices = #map1}]} {
    %mul3A = arith.constant 2 : i32
    %mul3A_0 = arith.muli %arg1, %mul3A : i32
    %add3A = arith.addi %mul3A_0, %arg0 : i32
    %mul3A_1 = arith.constant 25600 : i32
    %mul3A_2 = arith.muli %add3A, %mul3A_1 : i32
    %add3A_3 = arith.constant 0 : i32
    %add3A_4 = arith.addi %mul3A_2, %add3A_3 : i32
    %dma_start3A = arith.constant 0 : i32
    %dma_start3A_5 = arith.constant 0 : i32
    %dma_start3A_6 = arith.constant 0 : i32
    %dma_start3A_7 = tpu.memref_slice %arg5[%dma_start3A, %dma_start3A_6] : memref<2x80xi32, #tpu.memory_space<vmem>> -> memref<1x80xi32, #tpu.memory_space<vmem>>
    %dma_start3A_8 = tpu.memref_squeeze %dma_start3A_7 : memref<1x80xi32, #tpu.memory_space<vmem>> -> memref<80xi32, #tpu.memory_space<vmem>>
    %dma_start3A_9 = tpu.memref_slice %arg2[%add3A_4] : memref<819200xi32, #tpu.memory_space<hbm>> -> memref<80xi32, #tpu.memory_space<hbm>>
    %dma_start3A_10 = tpu.memref_slice %arg7[%dma_start3A_5] : memref<2x!tpu.dma_semaphore, #tpu.memory_space<semaphore_mem>> -> memref<1x!tpu.dma_semaphore, #tpu.memory_space<semaphore_mem>>
    %dma_start3A_11 = tpu.memref_squeeze %dma_start3A_10 : memref<1x!tpu.dma_semaphore, #tpu.memory_space<semaphore_mem>> -> memref<!tpu.dma_semaphore, #tpu.memory_space<semaphore_mem>>
    %dma_start3A_12 = arith.constant 0 : i32
    %dma_start3A_13 = tpu.memref_slice %arg5[%dma_start3A, %dma_start3A_12] : memref<2x80xi32, #tpu.memory_space<vmem>> -> memref<1x80xi32, #tpu.memory_space<vmem>>
    %dma_start3A_14 = tpu.memref_squeeze %dma_start3A_13 : memref<1x80xi32, #tpu.memory_space<vmem>> -> memref<80xi32, #tpu.memory_space<vmem>>
    %dma_start3A_15 = tpu.memref_slice %arg2[%add3A_4] : memref<819200xi32, #tpu.memory_space<hbm>> -> memref<80xi32, #tpu.memory_space<hbm>>
    tpu.enqueue_dma source(%dma_start3A_15 : memref<80xi32, #tpu.memory_space<hbm>>) target(%dma_start3A_14 : memref<80xi32, #tpu.memory_space<vmem>>) target_semaphore(%dma_start3A_11 : memref<!tpu.dma_semaphore, #tpu.memory_space<semaphore_mem>>)
    %add3A_16 = arith.constant 80 : i32
    %add3A_17 = arith.addi %mul3A_2, %add3A_16 : i32
    %dma_start3A_18 = arith.constant 1 : i32
    %dma_start3A_19 = arith.constant 1 : i32
    %dma_start3A_20 = arith.constant 0 : i32
    %dma_start3A_21 = tpu.memref_slice %arg5[%dma_start3A_18, %dma_start3A_20] : memref<2x80xi32, #tpu.memory_space<vmem>> -> memref<1x80xi32, #tpu.memory_space<vmem>>
    %dma_start3A_22 = tpu.memref_squeeze %dma_start3A_21 : memref<1x80xi32, #tpu.memory_space<vmem>> -> memref<80xi32, #tpu.memory_space<vmem>>
    %dma_start3A_23 = tpu.memref_slice %arg2[%add3A_17] : memref<819200xi32, #tpu.memory_space<hbm>> -> memref<80xi32, #tpu.memory_space<hbm>>
    %dma_start3A_24 = tpu.memref_slice %arg7[%dma_start3A_19] : memref<2x!tpu.dma_semaphore, #tpu.memory_space<semaphore_mem>> -> memref<1x!tpu.dma_semaphore, #tpu.memory_space<semaphore_mem>>
    %dma_start3A_25 = tpu.memref_squeeze %dma_start3A_24 : memref<1x!tpu.dma_semaphore, #tpu.memory_space<semaphore_mem>> -> memref<!tpu.dma_semaphore, #tpu.memory_space<semaphore_mem>>
    %dma_start3A_26 = arith.constant 0 : i32
    %dma_start3A_27 = tpu.memref_slice %arg5[%dma_start3A_18, %dma_start3A_26] : memref<2x80xi32, #tpu.memory_space<vmem>> -> memref<1x80xi32, #tpu.memory_space<vmem>>
    %dma_start3A_28 = tpu.memref_squeeze %dma_start3A_27 : memref<1x80xi32, #tpu.memory_space<vmem>> -> memref<80xi32, #tpu.memory_space<vmem>>
    %dma_start3A_29 = tpu.memref_slice %arg2[%add3A_17] : memref<819200xi32, #tpu.memory_space<hbm>> -> memref<80xi32, #tpu.memory_space<hbm>>
    tpu.enqueue_dma source(%dma_start3A_29 : memref<80xi32, #tpu.memory_space<hbm>>) target(%dma_start3A_28 : memref<80xi32, #tpu.memory_space<vmem>>) target_semaphore(%dma_start3A_25 : memref<!tpu.dma_semaphore, #tpu.memory_space<semaphore_mem>>)
    %scan3A = arith.constant 0 : i32
    %scan3A_30 = arith.constant 0 : i32
    %scan3A_31 = arith.constant 320 : i32
    %scan3A_32 = arith.addi %scan3A_30, %scan3A_31 : i32
    %scan3A_33 = arith.constant 1 : i32
    scf.for %scan3A_70 = %scan3A_30 to %scan3A_32 step %scan3A_33  : i32 {
      %rem3A = arith.constant 2 : i32
      %rem3A_71 = arith.remsi %scan3A_70, %rem3A : i32
      %dma_wait3A_72 = arith.constant 0 : i32
      %dma_wait3A_73 = tpu.memref_slice %arg5[%rem3A_71, %dma_wait3A_72] : memref<2x80xi32, #tpu.memory_space<vmem>> -> memref<1x80xi32, #tpu.memory_space<vmem>>
      %dma_wait3A_74 = tpu.memref_squeeze %dma_wait3A_73 : memref<1x80xi32, #tpu.memory_space<vmem>> -> memref<80xi32, #tpu.memory_space<vmem>>
      %dma_wait3A_75 = arith.constant 0 : i32
      %dma_wait3A_76 = tpu.memref_slice %arg2[%dma_wait3A_75] : memref<819200xi32, #tpu.memory_space<hbm>> -> memref<80xi32, #tpu.memory_space<hbm>>
      %dma_wait3A_77 = tpu.memref_slice %arg7[%rem3A_71] : memref<2x!tpu.dma_semaphore, #tpu.memory_space<semaphore_mem>> -> memref<1x!tpu.dma_semaphore, #tpu.memory_space<semaphore_mem>>
      %dma_wait3A_78 = tpu.memref_squeeze %dma_wait3A_77 : memref<1x!tpu.dma_semaphore, #tpu.memory_space<semaphore_mem>> -> memref<!tpu.dma_semaphore, #tpu.memory_space<semaphore_mem>>
      %dma_wait3A_79 = arith.constant 0 : i32
      %dma_wait3A_80 = tpu.memref_slice %arg5[%rem3A_71, %dma_wait3A_79] : memref<2x80xi32, #tpu.memory_space<vmem>> -> memref<1x80xi32, #tpu.memory_space<vmem>>
      %dma_wait3A_81 = tpu.memref_squeeze %dma_wait3A_80 : memref<1x80xi32, #tpu.memory_space<vmem>> -> memref<80xi32, #tpu.memory_space<vmem>>
      %dma_wait3A_82 = arith.constant 0 : i32
      %dma_wait3A_83 = tpu.memref_slice %arg2[%dma_wait3A_82] : memref<819200xi32, #tpu.memory_space<hbm>> -> memref<80xi32, #tpu.memory_space<hbm>>
      tpu.wait_dma2 semaphore(%dma_wait3A_78 : memref<!tpu.dma_semaphore, #tpu.memory_space<semaphore_mem>>) src(%dma_wait3A_83 : memref<80xi32, #tpu.memory_space<hbm>>) dst(%dma_wait3A_81 : memref<80xi32, #tpu.memory_space<vmem>>)
      %dma_start3A_84 = arith.constant 0 : i32
      %dma_start3A_85 = arith.constant 0 : i32
      %dma_start3A_86 = tpu.memref_slice %arg6[%rem3A_71, %dma_start3A_84, %dma_start3A_85] : memref<2x80x304xf32, #tpu.memory_space<vmem>> -> memref<1x80x304xf32, #tpu.memory_space<vmem>>
      %dma_start3A_87 = tpu.memref_squeeze %dma_start3A_86 : memref<1x80x304xf32, #tpu.memory_space<vmem>> -> memref<80x304xf32, #tpu.memory_space<vmem>>
      %dma_start3A_88 = arith.constant 0 : i32
      %dma_start3A_89 = tpu.memref_slice %arg5[%rem3A_71, %dma_start3A_88] : memref<2x80xi32, #tpu.memory_space<vmem>> -> memref<1x80xi32, #tpu.memory_space<vmem>>
      %dma_start3A_90 = tpu.memref_squeeze %dma_start3A_89 : memref<1x80xi32, #tpu.memory_space<vmem>> -> memref<80xi32, #tpu.memory_space<vmem>>
      %dma_start3A_91 = arith.constant 0 : i32
      %dma_start3A_92 = arith.constant 0 : i32
      %dma_start3A_93 = tpu.memref_slice %arg3[%dma_start3A_91, %dma_start3A_92] : memref<400005x304xf32, #tpu.memory_space<hbm>> -> memref<400005x304xf32, #tpu.memory_space<hbm>>
      %dma_start3A_94 = tpu.memref_slice %arg8[%rem3A_71] : memref<2x!tpu.dma_semaphore, #tpu.memory_space<semaphore_mem>> -> memref<1x!tpu.dma_semaphore, #tpu.memory_space<semaphore_mem>>
      %dma_start3A_95 = tpu.memref_squeeze %dma_start3A_94 : memref<1x!tpu.dma_semaphore, #tpu.memory_space<semaphore_mem>> -> memref<!tpu.dma_semaphore, #tpu.memory_space<semaphore_mem>>
      tpu.enqueue_indirect_dma source(%dma_start3A_93 : memref<400005x304xf32, #tpu.memory_space<hbm>>) target(%dma_start3A_87 : memref<80x304xf32, #tpu.memory_space<vmem>>) offsets(%dma_start3A_90 : memref<80xi32, #tpu.memory_space<vmem>>) semaphore(%dma_start3A_95 : memref<!tpu.dma_semaphore, #tpu.memory_space<semaphore_mem>>)
      %dma_wait3A_96 = arith.constant 0 : i32
      %dma_wait3A_97 = arith.constant 0 : i32
      %dma_wait3A_98 = tpu.memref_slice %arg6[%rem3A_71, %dma_wait3A_96, %dma_wait3A_97] : memref<2x80x304xf32, #tpu.memory_space<vmem>> -> memref<1x80x304xf32, #tpu.memory_space<vmem>>
      %dma_wait3A_99 = tpu.memref_squeeze %dma_wait3A_98 : memref<1x80x304xf32, #tpu.memory_space<vmem>> -> memref<80x304xf32, #tpu.memory_space<vmem>>
      %dma_wait3A_100 = arith.constant 0 : i32
      %dma_wait3A_101 = tpu.memref_slice %arg5[%rem3A_71, %dma_wait3A_100] : memref<2x80xi32, #tpu.memory_space<vmem>> -> memref<1x80xi32, #tpu.memory_space<vmem>>
      %dma_wait3A_102 = tpu.memref_squeeze %dma_wait3A_101 : memref<1x80xi32, #tpu.memory_space<vmem>> -> memref<80xi32, #tpu.memory_space<vmem>>
      %dma_wait3A_103 = arith.constant 0 : i32
      %dma_wait3A_104 = arith.constant 0 : i32
      %dma_wait3A_105 = tpu.memref_slice %arg3[%dma_wait3A_103, %dma_wait3A_104] : memref<400005x304xf32, #tpu.memory_space<hbm>> -> memref<400005x304xf32, #tpu.memory_space<hbm>>
      %dma_wait3A_106 = tpu.memref_slice %arg8[%rem3A_71] : memref<2x!tpu.dma_semaphore, #tpu.memory_space<semaphore_mem>> -> memref<1x!tpu.dma_semaphore, #tpu.memory_space<semaphore_mem>>
      %dma_wait3A_107 = tpu.memref_squeeze %dma_wait3A_106 : memref<1x!tpu.dma_semaphore, #tpu.memory_space<semaphore_mem>> -> memref<!tpu.dma_semaphore, #tpu.memory_space<semaphore_mem>>
      tpu.wait_indirect_dma semaphore(%dma_wait3A_107 : memref<!tpu.dma_semaphore, #tpu.memory_space<semaphore_mem>>) src(%dma_wait3A_105 : memref<400005x304xf32, #tpu.memory_space<hbm>>) dst(%dma_wait3A_99 : memref<80x304xf32, #tpu.memory_space<vmem>>)
      %add3A_108 = arith.constant 2 : i32
      %add3A_109 = arith.addi %scan3A_70, %add3A_108 : i32
      %lt3A = arith.constant 320 : i32
      %lt3A_110 = arith.cmpi slt, %add3A_109, %lt3A : i32
      %convert_element_type3A = arith.extui %lt3A_110 : i1 to i32
      %cond3A = arith.constant 0 : i32
      %cond3A_111 = arith.cmpi ne, %convert_element_type3A, %cond3A : i32
      scf.if %cond3A_111 {
        %add3A_133 = arith.constant 2 : i32
        %add3A_134 = arith.addi %scan3A_70, %add3A_133 : i32
        %mul3A_135 = arith.constant 80 : i32
        %mul3A_136 = arith.muli %add3A_134, %mul3A_135 : i32
        %add3A_137 = arith.addi %mul3A_2, %mul3A_136 : i32
        %dma_start3A_138 = arith.constant 0 : i32
        %dma_start3A_139 = tpu.memref_slice %arg5[%rem3A_71, %dma_start3A_138] : memref<2x80xi32, #tpu.memory_space<vmem>> -> memref<1x80xi32, #tpu.memory_space<vmem>>
        %dma_start3A_140 = tpu.memref_squeeze %dma_start3A_139 : memref<1x80xi32, #tpu.memory_space<vmem>> -> memref<80xi32, #tpu.memory_space<vmem>>
        %dma_start3A_141 = tpu.memref_slice %arg2[%add3A_137] : memref<819200xi32, #tpu.memory_space<hbm>> -> memref<80xi32, #tpu.memory_space<hbm>>
        %dma_start3A_142 = tpu.memref_slice %arg7[%rem3A_71] : memref<2x!tpu.dma_semaphore, #tpu.memory_space<semaphore_mem>> -> memref<1x!tpu.dma_semaphore, #tpu.memory_space<semaphore_mem>>
        %dma_start3A_143 = tpu.memref_squeeze %dma_start3A_142 : memref<1x!tpu.dma_semaphore, #tpu.memory_space<semaphore_mem>> -> memref<!tpu.dma_semaphore, #tpu.memory_space<semaphore_mem>>
        %dma_start3A_144 = arith.constant 0 : i32
        %dma_start3A_145 = tpu.memref_slice %arg5[%rem3A_71, %dma_start3A_144] : memref<2x80xi32, #tpu.memory_space<vmem>> -> memref<1x80xi32, #tpu.memory_space<vmem>>
        %dma_start3A_146 = tpu.memref_squeeze %dma_start3A_145 : memref<1x80xi32, #tpu.memory_space<vmem>> -> memref<80xi32, #tpu.memory_space<vmem>>
        %dma_start3A_147 = tpu.memref_slice %arg2[%add3A_137] : memref<819200xi32, #tpu.memory_space<hbm>> -> memref<80xi32, #tpu.memory_space<hbm>>
        tpu.enqueue_dma source(%dma_start3A_147 : memref<80xi32, #tpu.memory_space<hbm>>) target(%dma_start3A_146 : memref<80xi32, #tpu.memory_space<vmem>>) target_semaphore(%dma_start3A_143 : memref<!tpu.dma_semaphore, #tpu.memory_space<semaphore_mem>>)
      } else {
      }
      %ge3A = arith.constant 2 : i32
      %ge3A_112 = arith.cmpi sge, %scan3A_70, %ge3A : i32
      %convert_element_type3A_113 = arith.extui %ge3A_112 : i1 to i32
      %cond3A_114 = arith.constant 0 : i32
      %cond3A_115 = arith.cmpi ne, %convert_element_type3A_113, %cond3A_114 : i32
      scf.if %cond3A_115 {
        %dma_wait3A_133 = arith.constant 0 : i32
        %dma_wait3A_134 = arith.constant 0 : i32
        %dma_wait3A_135 = tpu.memref_slice %arg6[%rem3A_71, %dma_wait3A_133, %dma_wait3A_134] : memref<2x80x304xf32, #tpu.memory_space<vmem>> -> memref<1x80x304xf32, #tpu.memory_space<vmem>>
        %dma_wait3A_136 = tpu.memref_squeeze %dma_wait3A_135 : memref<1x80x304xf32, #tpu.memory_space<vmem>> -> memref<80x304xf32, #tpu.memory_space<vmem>>
        %dma_wait3A_137 = arith.constant 0 : i32
        %dma_wait3A_138 = arith.constant 0 : i32
        %dma_wait3A_139 = tpu.memref_slice %arg4[%dma_wait3A_137, %dma_wait3A_138] : memref<819200x304xf32, #tpu.memory_space<hbm>> -> memref<80x304xf32, #tpu.memory_space<hbm>>
        %dma_wait3A_140 = tpu.memref_slice %arg9[%rem3A_71] : memref<2x!tpu.dma_semaphore, #tpu.memory_space<semaphore_mem>> -> memref<1x!tpu.dma_semaphore, #tpu.memory_space<semaphore_mem>>
        %dma_wait3A_141 = tpu.memref_squeeze %dma_wait3A_140 : memref<1x!tpu.dma_semaphore, #tpu.memory_space<semaphore_mem>> -> memref<!tpu.dma_semaphore, #tpu.memory_space<semaphore_mem>>
        %dma_wait3A_142 = arith.constant 0 : i32
        %dma_wait3A_143 = arith.constant 0 : i32
        %dma_wait3A_144 = tpu.memref_slice %arg4[%dma_wait3A_142, %dma_wait3A_143] : memref<819200x304xf32, #tpu.memory_space<hbm>> -> memref<80x304xf32, #tpu.memory_space<hbm>>
        %dma_wait3A_145 = arith.constant 0 : i32
        %dma_wait3A_146 = arith.constant 0 : i32
        %dma_wait3A_147 = tpu.memref_slice %arg6[%rem3A_71, %dma_wait3A_145, %dma_wait3A_146] : memref<2x80x304xf32, #tpu.memory_space<vmem>> -> memref<1x80x304xf32, #tpu.memory_space<vmem>>
        %dma_wait3A_148 = tpu.memref_squeeze %dma_wait3A_147 : memref<1x80x304xf32, #tpu.memory_space<vmem>> -> memref<80x304xf32, #tpu.memory_space<vmem>>
        tpu.wait_dma2 semaphore(%dma_wait3A_141 : memref<!tpu.dma_semaphore, #tpu.memory_space<semaphore_mem>>) src(%dma_wait3A_148 : memref<80x304xf32, #tpu.memory_space<vmem>>) dst(%dma_wait3A_144 : memref<80x304xf32, #tpu.memory_space<hbm>>)
      } else {
      }
      %mul3A_116 = arith.constant 80 : i32
      %mul3A_117 = arith.muli %scan3A_70, %mul3A_116 : i32
      %add3A_118 = arith.addi %mul3A_2, %mul3A_117 : i32
      %dma_start3A_119 = arith.constant 0 : i32
      %dma_start3A_120 = arith.constant 0 : i32
      %dma_start3A_121 = tpu.memref_slice %arg6[%rem3A_71, %dma_start3A_119, %dma_start3A_120] : memref<2x80x304xf32, #tpu.memory_space<vmem>> -> memref<1x80x304xf32, #tpu.memory_space<vmem>>
      %dma_start3A_122 = tpu.memref_squeeze %dma_start3A_121 : memref<1x80x304xf32, #tpu.memory_space<vmem>> -> memref<80x304xf32, #tpu.memory_space<vmem>>
      %dma_start3A_123 = arith.constant 0 : i32
      %dma_start3A_124 = tpu.memref_slice %arg4[%add3A_118, %dma_start3A_123] : memref<819200x304xf32, #tpu.memory_space<hbm>> -> memref<80x304xf32, #tpu.memory_space<hbm>>
      %dma_start3A_125 = tpu.memref_slice %arg9[%rem3A_71] : memref<2x!tpu.dma_semaphore, #tpu.memory_space<semaphore_mem>> -> memref<1x!tpu.dma_semaphore, #tpu.memory_space<semaphore_mem>>
      %dma_start3A_126 = tpu.memref_squeeze %dma_start3A_125 : memref<1x!tpu.dma_semaphore, #tpu.memory_space<semaphore_mem>> -> memref<!tpu.dma_semaphore, #tpu.memory_space<semaphore_mem>>
      %dma_start3A_127 = arith.constant 0 : i32
      %dma_start3A_128 = tpu.memref_slice %arg4[%add3A_118, %dma_start3A_127] : memref<819200x304xf32, #tpu.memory_space<hbm>> -> memref<80x304xf32, #tpu.memory_space<hbm>>
      %dma_start3A_129 = arith.constant 0 : i32
      %dma_start3A_130 = arith.constant 0 : i32
      %dma_start3A_131 = tpu.memref_slice %arg6[%rem3A_71, %dma_start3A_129, %dma_start3A_130] : memref<2x80x304xf32, #tpu.memory_space<vmem>> -> memref<1x80x304xf32, #tpu.memory_space<vmem>>
      %dma_start3A_132 = tpu.memref_squeeze %dma_start3A_131 : memref<1x80x304xf32, #tpu.memory_space<vmem>> -> memref<80x304xf32, #tpu.memory_space<vmem>>
      tpu.enqueue_dma source(%dma_start3A_132 : memref<80x304xf32, #tpu.memory_space<vmem>>) target(%dma_start3A_128 : memref<80x304xf32, #tpu.memory_space<hbm>>) target_semaphore(%dma_start3A_126 : memref<!tpu.dma_semaphore, #tpu.memory_space<semaphore_mem>>)
    }
    %scan3A_34 = arith.constant 320 : i32
    %dma_wait3A = arith.constant 1 : i32
    %dma_wait3A_35 = arith.constant 1 : i32
    %dma_wait3A_36 = arith.constant 0 : i32
    %dma_wait3A_37 = arith.constant 0 : i32
    %dma_wait3A_38 = tpu.memref_slice %arg6[%dma_wait3A, %dma_wait3A_36, %dma_wait3A_37] : memref<2x80x304xf32, #tpu.memory_space<vmem>> -> memref<1x80x304xf32, #tpu.memory_space<vmem>>
    %dma_wait3A_39 = tpu.memref_squeeze %dma_wait3A_38 : memref<1x80x304xf32, #tpu.memory_space<vmem>> -> memref<80x304xf32, #tpu.memory_space<vmem>>
    %dma_wait3A_40 = arith.constant 0 : i32
    %dma_wait3A_41 = arith.constant 0 : i32
    %dma_wait3A_42 = tpu.memref_slice %arg4[%dma_wait3A_40, %dma_wait3A_41] : memref<819200x304xf32, #tpu.memory_space<hbm>> -> memref<80x304xf32, #tpu.memory_space<hbm>>
    %dma_wait3A_43 = tpu.memref_slice %arg9[%dma_wait3A_35] : memref<2x!tpu.dma_semaphore, #tpu.memory_space<semaphore_mem>> -> memref<1x!tpu.dma_semaphore, #tpu.memory_space<semaphore_mem>>
    %dma_wait3A_44 = tpu.memref_squeeze %dma_wait3A_43 : memref<1x!tpu.dma_semaphore, #tpu.memory_space<semaphore_mem>> -> memref<!tpu.dma_semaphore, #tpu.memory_space<semaphore_mem>>
    %dma_wait3A_45 = arith.constant 0 : i32
    %dma_wait3A_46 = arith.constant 0 : i32
    %dma_wait3A_47 = tpu.memref_slice %arg4[%dma_wait3A_45, %dma_wait3A_46] : memref<819200x304xf32, #tpu.memory_space<hbm>> -> memref<80x304xf32, #tpu.memory_space<hbm>>
    %dma_wait3A_48 = arith.constant 0 : i32
    %dma_wait3A_49 = arith.constant 0 : i32
    %dma_wait3A_50 = tpu.memref_slice %arg6[%dma_wait3A, %dma_wait3A_48, %dma_wait3A_49] : memref<2x80x304xf32, #tpu.memory_space<vmem>> -> memref<1x80x304xf32, #tpu.memory_space<vmem>>
    %dma_wait3A_51 = tpu.memref_squeeze %dma_wait3A_50 : memref<1x80x304xf32, #tpu.memory_space<vmem>> -> memref<80x304xf32, #tpu.memory_space<vmem>>
    tpu.wait_dma2 semaphore(%dma_wait3A_44 : memref<!tpu.dma_semaphore, #tpu.memory_space<semaphore_mem>>) src(%dma_wait3A_51 : memref<80x304xf32, #tpu.memory_space<vmem>>) dst(%dma_wait3A_47 : memref<80x304xf32, #tpu.memory_space<hbm>>)
    %dma_wait3A_52 = arith.constant 0 : i32
    %dma_wait3A_53 = arith.constant 0 : i32
    %dma_wait3A_54 = arith.constant 0 : i32
    %dma_wait3A_55 = arith.constant 0 : i32
    %dma_wait3A_56 = tpu.memref_slice %arg6[%dma_wait3A_52, %dma_wait3A_54, %dma_wait3A_55] : memref<2x80x304xf32, #tpu.memory_space<vmem>> -> memref<1x80x304xf32, #tpu.memory_space<vmem>>
    %dma_wait3A_57 = tpu.memref_squeeze %dma_wait3A_56 : memref<1x80x304xf32, #tpu.memory_space<vmem>> -> memref<80x304xf32, #tpu.memory_space<vmem>>
    %dma_wait3A_58 = arith.constant 0 : i32
    %dma_wait3A_59 = arith.constant 0 : i32
    %dma_wait3A_60 = tpu.memref_slice %arg4[%dma_wait3A_58, %dma_wait3A_59] : memref<819200x304xf32, #tpu.memory_space<hbm>> -> memref<80x304xf32, #tpu.memory_space<hbm>>
    %dma_wait3A_61 = tpu.memref_slice %arg9[%dma_wait3A_53] : memref<2x!tpu.dma_semaphore, #tpu.memory_space<semaphore_mem>> -> memref<1x!tpu.dma_semaphore, #tpu.memory_space<semaphore_mem>>
    %dma_wait3A_62 = tpu.memref_squeeze %dma_wait3A_61 : memref<1x!tpu.dma_semaphore, #tpu.memory_space<semaphore_mem>> -> memref<!tpu.dma_semaphore, #tpu.memory_space<semaphore_mem>>
    %dma_wait3A_63 = arith.constant 0 : i32
    %dma_wait3A_64 = arith.constant 0 : i32
    %dma_wait3A_65 = tpu.memref_slice %arg4[%dma_wait3A_63, %dma_wait3A_64] : memref<819200x304xf32, #tpu.memory_space<hbm>> -> memref<80x304xf32, #tpu.memory_space<hbm>>
    %dma_wait3A_66 = arith.constant 0 : i32
    %dma_wait3A_67 = arith.constant 0 : i32
    %dma_wait3A_68 = tpu.memref_slice %arg6[%dma_wait3A_52, %dma_wait3A_66, %dma_wait3A_67] : memref<2x80x304xf32, #tpu.memory_space<vmem>> -> memref<1x80x304xf32, #tpu.memory_space<vmem>>
    %dma_wait3A_69 = tpu.memref_squeeze %dma_wait3A_68 : memref<1x80x304xf32, #tpu.memory_space<vmem>> -> memref<80x304xf32, #tpu.memory_space<vmem>>
    tpu.wait_dma2 semaphore(%dma_wait3A_62 : memref<!tpu.dma_semaphore, #tpu.memory_space<semaphore_mem>>) src(%dma_wait3A_69 : memref<80x304xf32, #tpu.memory_space<vmem>>) dst(%dma_wait3A_65 : memref<80x304xf32, #tpu.memory_space<hbm>>)
    return
  }
}

</mosaic_0001>

<sc_bundles>
// kernel: kernel.3.cloned.1.call-start
scs
__scs_entry_jumppad:
0x0: {  	(pc) =	sbr.rel $0x88, $3  }
0x1: {  	(tag) =	ssettag $0x0;
	lr =	simm.s32 $0x1  }
0x2: {  	[smem:$0x3F9F] =	sst lr;
	_ =	strace $0xD0000000  }
0x3: {  	_ = 	snop  }
0x4: {  	_ = 	snop  }
0x5: {  	_ = 	snop  }
0x6: {  	_ = 	snop  }
0x7: {  	_ = 	snop  }
__scs_overlays_trampoline_lowered:
0x8: {  	[smem:$0x3FAE] =	sst s0  }
0x9: {  	[smem:$0x3FAF] =	sst s1  }
0xa: {  	[smem:$0x3FB0] =	sst s2  }
0xb: {  	[smem:$0x3FB1] =	sst s3  }
0xc: {  	[smem:$0x3FB2] =	sst s4  }
0xd: {  	[smem:$0x3FB3] =	sst s5  }
0xe: {  	[smem:$0x3FB4] =	sst s6  }
0xf: {  	[smem:$0x3FB5] =	sst s7  }
0x10: {  	[smem:$0x3FB6] =	sst s8  }
0x11: {  	[smem:$0x3FB7] =	sst s9;
	s0 =	simm.s32 @!p0 $0x0  }
0x12: {  	s1 =	sld [smem:$0x3F9D];
	s0 =	simm.s32 @p0 $0x1  }
0x13: {  	[smem:$0x3FB8] =	sst s0;
	s0 =	simm.s32 @!p1 $0x0  }
0x14: {  	s2 =	sld [smem:$0x3F9C];
	s0 =	simm.s32 @p1 $0x1  }
0x15: {  	[smem:$0x3FB9] =	sst s0;
	s0 =	simm.s32 @!p2 $0x0  }
0x16: {  	s3 =	sld [smem:$0x3FDB];
	s0 =	simm.s32 @p2 $0x1  }
0x17: {  	s4 =	simm.s32 $0x1BF5;
	[smem:$0x3FBB] =	sst s0  }
0x18: {  	s0 =	sld [smem:$0x3F9E];
	_ =	swait.ge [sflag:s4], $0x0  }
0x19: {  	s7 =	sld [smem:$0x3F9F]  }
0x1a: {  	s8 =	sadd.s32 $0xFFFFE003, lr  }
0x1b: {  	s9 =	sadd.s32 $0xFFFFFEF7, lr;
	s5 =	simm.s32 $0xFFFFFFFF;
	p2 =	slt.u32 s8, $0xFFFFF086  }
0x1c: {  	p1 =	slt.u32 s9, $0xF7A;
	s5 =	simm.s32 @!p2 $0x0  }
0x1d: {  	s5 =	simm.s32 @p1 $0x1;
	p0 =	seq.s32 s7, s2  }
0x1e: {  	s7 =	smul.u32 @!p0 $0xF7A, s2;
	p2 =	seq.s32 @!p0 s5, $0x0  }
0x1f: {  	s9 =	smul.u32 $0xF7A, s1;
	s8 =	simm.s32 @!p0 $0x1BF5;
	p2 =	por !p2, p0  }
0x20: {  	[sflag:s8] =	ssyncset.s32 @!p0 $0xFFFFF086;
	s6 =	sadd.s32 @!p0 s3, s7;
	s7 =	simm.s32 @!p0 $0x108  }
0x21: {  	s3 =	sadd.s32 s3, s9;
	s6 =	sadd.s32 @!p0 $0x88, s6;
	s7 =	simm.s32 @p2 $0x1082  }
0x22: {  	[simem:s7], [sflag:s8] =	dma.local @!p0 [hbm:s6], $0xF7A  }
0x23: {  	s9 =	sor.u32 $0xD0000000, s2;
	s6 =	simm.s32 $0x108;
	_ =	swait.ge @!p0 [sflag:s8], $0x0  }
0x24: {  	s3 =	sadd.s32 $0x88, s3;
	s6 =	simm.s32 @!p1 $0x1082;
	[sflag:s4] =	ssyncset.s32 $0xFFFFF086  }
0x25: {  	[simem:s6], [sflag:s4] =	dma.local [hbm:s3], $0xF7A  }
0x26: {  	[smem:$0x3F9F] =	sst s1;
	(tag) =	ssettag s2;
	_ =	strace s9  }
0x27: {  	s1 =	sld [smem:$0x3FAF]  }
0x28: {  	s2 =	sld [smem:$0x3FB0]  }
0x29: {  	s4 =	sld [smem:$0x3FB2]  }
0x2a: {  	p0 =	seq.s32 s5, $0x0;
	s5 =	sld [smem:$0x3FB3]  }
0x2b: {  	s6 =	sld [smem:$0x3FB4]  }
0x2c: {  	s7 =	sld [smem:$0x3FB5]  }
0x2d: {  	s3 =	simm.s32 $0x108;
	s8 =	sld [smem:$0x3FB6]  }
0x2e: {  	s3 =	simm.s32 @!p0 $0x1082;
	s9 =	sld [smem:$0x3FB7]  }
0x2f: {  	lr =	sadd.s32 s0, s3;
	s0 =	sld [smem:$0x3FAE]  }
0x30: {  	s3 =	sld [smem:$0x3FB1]  }
0x31: {  	[smem:$0x3FBA] =	sst s10  }
0x32: {  	s10 =	sld [smem:$0x3FB8];
	_ =	sdelay $0x3  }
0x33: {  	p0 =	seq.s32 s10, $0x1;
	s10 =	sld [smem:$0x3FBA];
	_ =	sdelay $0x3  }
0x34: {  	[smem:$0x3FBA] =	sst s10  }
0x35: {  	s10 =	sld [smem:$0x3FB9];
	_ =	sdelay $0x3  }
0x36: {  	p1 =	seq.s32 s10, $0x1;
	s10 =	sld [smem:$0x3FBA];
	_ =	sdelay $0x3  }
0x37: {  	[smem:$0x3FBA] =	sst s10  }
0x38: {  	s10 =	sld [smem:$0x3FBB]  }
0x39: {  	_ = 	snop;
	(pc) =	sbr.ind lr, $3  }
0x3a: {  	_ = 	snop  }
0x3b: {  	_ = 	snop  }
0x3c: {  	p2 =	seq.s32 s10, $0x1;
	s10 =	sld [smem:$0x3FBA]  }
0x3d: {  	_ =	shalt  }
0x3e: {  	_ =	shalt  }
0x3f: {  	_ =	shalt  }
0x40: {  	_ =	shalt  }
0x41: {  	_ =	shalt  }
0x42: {  	_ =	shalt  }
0x43: {  	_ =	shalt  }
0x44: {  	_ =	shalt  }
0x45: {  	_ =	shalt  }
0x46: {  	_ =	shalt  }
0x47: {  	_ =	shalt  }
0x48: {  	_ =	shalt  }
0x49: {  	_ =	shalt  }
0x4a: {  	_ =	shalt  }
0x4b: {  	_ =	shalt  }
0x4c: {  	_ =	shalt  }
0x4d: {  	_ =	shalt  }
0x4e: {  	_ =	shalt  }
0x4f: {  	_ =	shalt  }
0x50: {  	_ =	shalt  }
0x51: {  	_ =	shalt  }
0x52: {  	_ =	shalt  }
0x53: {  	_ =	shalt  }
0x54: {  	_ =	shalt  }
0x55: {  	_ =	shalt  }
0x56: {  	_ =	shalt  }
0x57: {  	_ =	shalt  }
0x58: {  	_ =	shalt  }
0x59: {  	_ =	shalt  }
0x5a: {  	_ =	shalt  }
0x5b: {  	_ =	shalt  }
0x5c: {  	_ =	shalt  }
0x5d: {  	_ =	shalt  }
0x5e: {  	_ =	shalt  }
0x5f: {  	_ =	shalt  }
0x60: {  	_ =	shalt  }
0x61: {  	_ =	shalt  }
0x62: {  	_ =	shalt  }
0x63: {  	_ =	shalt  }
0x64: {  	_ =	shalt  }
0x65: {  	_ =	shalt  }
0x66: {  	_ =	shalt  }
0x67: {  	_ =	shalt  }
0x68: {  	_ =	shalt  }
0x69: {  	_ =	shalt  }
0x6a: {  	_ =	shalt  }
0x6b: {  	_ =	shalt  }
0x6c: {  	_ =	shalt  }
0x6d: {  	_ =	shalt  }
0x6e: {  	_ =	shalt  }
0x6f: {  	_ =	shalt  }
0x70: {  	_ =	shalt  }
0x71: {  	_ =	shalt  }
0x72: {  	_ =	shalt  }
0x73: {  	_ =	shalt  }
0x74: {  	_ =	shalt  }
0x75: {  	_ =	shalt  }
0x76: {  	_ =	shalt  }
0x77: {  	_ =	shalt  }
0x78: {  	_ =	shalt  }
0x79: {  	_ =	shalt  }
0x7a: {  	_ =	shalt  }
0x7b: {  	_ =	shalt  }
0x7c: {  	_ =	shalt  }
0x7d: {  	_ =	shalt  }
0x7e: {  	_ =	shalt  }
0x7f: {  	_ =	shalt  }
0x80: {  	_ =	shalt  }
0x81: {  	_ =	shalt  }
0x82: {  	_ =	shalt  }
0x83: {  	_ =	shalt  }
0x84: {  	_ =	shalt  }
0x85: {  	_ =	shalt  }
0x86: {  	_ =	shalt  }
0x87: {  	_ =	shalt  }
.Lfunc_end0:
.L_simem_size_0:
called_computation.1_lowered:
.L_overlay_start_0:
0x88: {  	s2 =	sld [smem:$0x3FD9]  }
0x89: {  	s3 =	sld [smem:$0x3FFE];
	_ =	sdelay $0x1  }
0x8a: {  	s1 =	srdreg.scid  }
0x8b: {  	s0 =	sand.u32 $0x1, s1  }
0x8c: {  	s17 =	sshll.u32 s0, $0xA;
	s2 =	sadd.s32 s3, s2  }
0x8d: {  	s2 =	sadd.s32 s2, s17  }
0x8e: {  	[smem:$0x3FC6] =	sst s2  }
0x8f: {  	_ = 	snop  }
0x90: {  	s2 =	sld [smem:$0x3FD0];
	(tm) =	ssettm $0x1  }
0x91: {  	s18 =	sld [smem:$0x3FFB];
	_ =	sdelay $0x3  }
0x92: {  	_ =	strace s18  }
0x93: {  	s3 =	sld [smem:$0x3FFC];
	_ =	sdelay $0x3  }
0x94: {  	_ =	strace s3  }
0x95: {  	s3 =	sld [smem:$0x3FFD];
	_ =	sdelay $0x3  }
0x96: {  	_ =	strace s3  }
0x97: {  	_ =	strace $0x8FFFFFFF  }
0x98: {  	s19 =	sld [smem:$0x3FDB];
	_ =	sdelay $0x1  }
0x99: {  	s4 =	simm.s32 $_scs_section_size  }
0x9a: {  	s5 =	simm.s32 $_size__tile_overlayer_lowered;
	s6 =	simm.s32 $_tile_overlayer_lowered  }
0x9b: {  	s22 =	simm.s32 $0x1BFF;
	s21 =	sshll.u32 s6, $0x1;
	s3 =	sadd.s32 s4, s19  }
0x9c: {  	s7 =	simm.s32 $0x0;
	s20 =	sshll.u32 s5, $0x1;
	s5 =	sadd.s32 s21, s3  }
0x9d: {  	[timem:s7], [sflag:s22] =	dma.local [hbm:s5], s20  }
0x9e: {  	_ =	swait.ge [sflag:s22], s20  }
0x9f: {  	s4 =	ssub.s32 $0x0, s20;
	[sflag:s22] =	ssyncset.done $0x0  }
0xa0: {  	[sflag:s22] =	ssyncadd.s32 s4;
	_ =	sdelay $0x1  }
0xa1: {  	s23 =	simm.s32 $0x1B8B  }
0xa2: {  	_ =	swait.ge [sflag:s23], $0x1  }
0xa3: {  	[sflag:s23] =	ssyncset.done $0x0  }
0xa4: {  	s25 =	simm.s32 $0x1B8E;
	s24 =	sld [smem:$0x3FFE];
	[sflag:s23] =	ssyncadd.s32 $0xFFFFFFFF  }
0xa5: {  	s26 =	simm.s32 $execute0_lowered;
	[smem:$0x3FD2] =	sst s25  }
0xa6: {  	s5 =	sshll.u32 s26, $0x1;
	_ =	strace $0x80000046;
	[dreg:$0x1] =	wrdreg $0xFFFFFFFF  }
0xa7: {  	s28 =	simm.s32 $_size_execute0_lowered;
	s3 =	sadd.s32 s3, s5;
	[dreg:$0x0] =	wrdreg $0x0  }
0xa8: {  	s5 =	sshll.u32 s28, $0x1;
	[dreg:$0x2] =	wrdreg s3  }
0xa9: {  	[dreg:$0x3] =	wrdreg s5  }
0xaa: {  	[dreg:$0x4] =	wrdreg $0xC0  }
0xab: {  	_ =	task [dreg:s7], $0x5FFFF  }
0xac: {  	[dreg:$0x1] =	wrdreg $0xFFFFFFFF  }
0xad: {  	[dreg:$0x0] =	wrdreg $0x60  }
0xae: {  	[dreg:$0x2] =	wrdreg s24  }
0xaf: {  	[dreg:$0x3] =	wrdreg s2  }
0xb0: {  	[dreg:$0x4] =	wrdreg $0x9  }
0xb1: {  	_ =	task.clear_ibuf [dreg:s7], $0x5FFFF;
	_ =	strace $0x90000046  }
0xb2: {  	s29 =	simm.s32 $0x9;
	_ =	strace $0x80000048  }
0xb3: {  	_ =	swait.ge [sflag:s29], $0x1  }
0xb4: {  	[sflag:s29] =	ssyncadd.s32 $0xFFFFFFFF  }
0xb5: {  	_ =	strace $0x90000048  }
0xb6: {  	_ =	sfence  }
0xb7: {  	s30 =	sld [smem:$0x0];
	_ =	sdelay $0x2  }
0xb8: {  	s31 =	sshll.u32 s1, $0xD;
	s1 =	sshrl.u32 s1, $0x2  }
0xb9: {  	s3 =	sand.u32 $0x4000, s31;
	s1 =	sadd.s32 s1, s30  }
0xba: {  	s0 =	sor.u32 s3, s0;
	s1 =	sshll.u32 s1, $0x11  }
0xbb: {  	s0 =	sor.u32 s1, s0  }
0xbc: {  	s0 =	sadd.s32 $0x8F2B, s0  }
0xbd: {  	[sflag:s0] =	ssyncadd.remote.s32 $0x1  }
0xbe: {  	_ =	sfence.sel $0xFFFF  }
0xbf: {  	[dreg:$0x0] =	wrdreg $0xFFFFFFFF;
	(pc) =	sbr.abs _section_cstart, $3  }
0xc0: {  	[dreg:$0x1] =	wrdreg $0xFFFFFFFF  }
0xc1: {  	_ =	task.clear_ibuf [dreg:s7], $0x2FFFF;
	_ =	strace $0x9FFFFFFF  }
0xc2: {  	(tm) =	ssettm $0x7FFFFFFF  }
0xc3: {  	_ =	shalt  }
tec
execute0_lowered:
.L_overlay_start_1:
0x0: {  	(tag) =	ssettag $0x1  }
0x1: {  	s4 =	rddreg [dreg:$0x0]  }
0x2: {  	s2 =	rddreg [dreg:$0x1]  }
0x3: {  	s5 =	srdreg.scid;
	s0 =	stileid.u32;
	s3 =	simm.s32 $0x0  }
0x4: {  	s16 =	simm.s32 $0x3;
	s17 =	simm.s32 $0x5FA0;
	s18 =	simm.s32 $0x4  }
0x5: {  	s19 =	simm.s32 $0x6;
	s20 =	simm.s32 $0x5;
	s26 =	smul.u32 $0xC800, s0  }
0x6: {  	s21 =	simm.s32 $0x0;
	s8 =	sand.u32 $0x1, s5;
	s29 =	smul.u32 $0x1DB000, s0  }
0x7: {  	s24 =	sshll.u32 s0, $0x1;
	[smem:$0x7FF] =	sst s3;
	s14 =	smul.u32 $0x6400, s8  }
0x8: {  	s12 =	sadd.s32 $0x800, s4;
	s5 =	sor.u32 s8, s24;
	s15 =	smul.u32 $0xED800, s8  }
0x9: {  	s9 =	sadd.s32 $0x19800, s4;
	s25 =	ssub.s32 $0x2, s8;
	s6 =	smul.u32 $0x6400, s5  }
0xa: {  	_ =	strace $0x80000047;
	s7 =	sshrl.u32 s25, $0x1;
	s11 =	smul.u32 $0xED800, s5  }
0xb: {  	s30 =	sadd.s32 s29, s9;
	s7 =	ssub.s32 s25, s7;
	s10 =	sshrl.u32 s6, $0x3  }
0xc: {  	s13 =	sor.u32 $0xA0, s6;
	s6 =	smax.u32 s7, $0x1;
	s8 =	sadd.s32 s9, s11  }
0xd: {  	s11 =	sadd.s32 s15, s30;
	s15 =	simm.s32 $0xA0;
	s4 =	sadd.s32 s12, s10  }
0xe: {  	s28 =	sshrl.u32 s13, $0x3;
	s10 =	sadd.s32 s14, s26;
	s11 =	sadd.s32 $0x17C0, s11  }
0xf: {  	s13 =	simm.s32 $0x50;
	s14 =	simm.s32 $0x1;
	s10 =	sor.u32 $0x140, s10  }
0x10: {  	s5 =	sadd.s32 $0xA, s4;
	s7 =	sadd.s32 s12, s28;
	s31 =	sshrl.u32 s10, $0x3  }
0x11: {  	s9 =	sadd.s32 $0x1E, s4;
	s10 =	sadd.s32 $0xBE0, s8;
	s12 =	sadd.s32 s31, s12  }
.LBB2_1:
0x12: {  	[tilespmem:s3], [sflag:$0x1] =	stream.linear.gather [hbm4b:s4+s3], $0x50, $0x38;
	[tilespmem:$0xBEA0] =	vst v63  }
0x13: {  	_ = 	snop  }
0x14: {  	[tilespmem:s13], [sflag:$0x2] =	stream.linear.gather [hbm4b:s5+s3], $0x50, $0x38;
	[tilespmem:$0xBEA0] =	vst v63  }
0x15: {  	_ =	swait.ge [sflag:s14], $0x50  }
0x16: {  	[sflag:s14] =	ssyncset.done $0x0  }
0x17: {  	[sflag:s14] =	ssyncadd.s32 $0xFFFFFFB0  }
0x18: {  	[tilespmem:s15], [sflag:$0x3] =	stream.indirect.gather [hbm4b:s2+s13], $0x130, s3, s13, $0xb8;
	[tilespmem:$0xBEA0] =	vst v63  }
0x19: {  	_ =	swait.ge [sflag:s16], $0x5F00  }
0x1a: {  	[sflag:s16] =	ssyncset.done $0x0  }
0x1b: {  	[sflag:s16] =	ssyncadd.s32 $0xFFFFA100  }
0x1c: {  	[tilespmem:s3], [sflag:$0x1] =	stream.linear.gather [hbm4b:s7+s3], $0x50, $0x38;
	[tilespmem:$0xBEA0] =	vst v63  }
0x1d: {  	s22 =	simm.s32 $0x2  }
0x1e: {  	[hbm4b:s8+s3] =	stream.linear.scatter [tilespmem:s15], [sflag:$0x5], $0x5F00, $0x38;
	[tilespmem:$0xBEA0] =	vst v63  }
0x1f: {  	_ =	swait.ge [sflag:s22], $0x50  }
0x20: {  	[sflag:s22] =	ssyncset.done $0x0  }
0x21: {  	[sflag:s22] =	ssyncadd.s32 $0xFFFFFFB0  }
0x22: {  	[tilespmem:s17], [sflag:$0x4] =	stream.indirect.gather [hbm4b:s2+s13], $0x130, s13, s13, $0xb8;
	[tilespmem:$0xBEA0] =	vst v63  }
0x23: {  	_ =	swait.ge [sflag:s18], $0x5F00  }
0x24: {  	[sflag:s18] =	ssyncset.done $0x0  }
0x25: {  	s22 =	sand.u32 $0x1, s22;
	[sflag:s18] =	ssyncadd.s32 $0xFFFFA100  }
0x26: {  	[tilespmem:s13], [sflag:$0x2] =	stream.linear.gather [hbm4b:s9+s3], $0x50, $0x38;
	[tilespmem:$0xBEA0] =	vst v63  }
0x27: {  	s23 =	smul.u32 $0x17C00, s22;
	s26 =	sadd.s32 $0x1, s22  }
0x28: {  	[hbm4b:s10+s3] =	stream.linear.scatter [tilespmem:s17], [sflag:$0x6], $0x5F00, $0x38;
	[tilespmem:$0xBEA0] =	vst v63  }
0x29: {  	s24 =	smul.u32 $0x140, s22;
	_ =	swait.ge [sflag:s26], $0x50  }
0x2a: {  	s28 =	sadd.s32 $0x3, s22;
	s23 =	sshrl.u32 s23, $0x2;
	[sflag:s26] =	ssyncset.done $0x0  }
0x2b: {  	s25 =	sor.u32 $0xA0, s23;
	s23 =	sshrl.u32 s24, $0x2;
	[sflag:s26] =	ssyncadd.s32 $0xFFFFFFB0  }
0x2c: {  	[tilespmem:s25], [sflag:s28] =	stream.indirect.gather [hbm4b:s2+s13], $0x130, s23, s13, $0xb8;
	[tilespmem:$0xBEA0] =	vst v63  }
0x2d: {  	p0 =	por $0x0, $0x0;
	_ =	swait.ge [sflag:s28], $0x5F00  }
0x2e: {  	s30 =	smov.u32 s11;
	s29 =	sadd.s32 $0x5, s22;
	[sflag:s28] =	ssyncset.done $0x0  }
0x2f: {  	s22 =	sadd.s32 $0xBE0, s11;
	[sflag:s28] =	ssyncadd.s32 $0xFFFFA100;
	s28 =	simm.s32 @!p0 $0x0  }
0x30: {  	[tilespmem:s23], [sflag:s26] =	stream.linear.gather @!p0 [hbm4b:s12+s28], $0x50, $0x38;
	[tilespmem:$0xBEA0] =	vst v63  }
0x31: {  	s24 =	simm.s32 $0x3;
	s28 =	simm.s32 $0x4;
	_ =	swait.ge [sflag:s29], $0x5F00  }
0x32: {  	s23 =	sadd.s32 $0xA, s12;
	s26 =	sand.u32 $0x1, s24;
	[sflag:s29] =	ssyncset.done $0x0  }
.LBB2_2:
0x33: {  	s31 =	sadd.s32 $0x1, s26  }
0x34: {  	s0 =	smul.u32 $0x17C00, s26;
	[sflag:s29] =	ssyncadd.s32 $0xFFFFA100;
	s1 =	smov.u32 s28  }
0x35: {  	[hbm4b:s30+s3] =	stream.linear.scatter [tilespmem:s25], [sflag:s29], $0x5F00, $0x38;
	[tilespmem:$0xBEA0] =	vst v63  }
0x36: {  	s29 =	smul.u32 $0x140, s26;
	_ =	swait.ge [sflag:s31], $0x50;
	s0 =	sshrl.u32 s0, $0x2  }
0x37: {  	s28 =	sadd.s32 $0x1, s28;
	[sflag:s31] =	ssyncset.done $0x0;
	s25 =	sor.u32 $0xA0, s0  }
0x38: {  	s0 =	sshrl.u32 s29, $0x2;
	s29 =	sadd.s32 $0x3, s26;
	[sflag:s31] =	ssyncadd.s32 $0xFFFFFFB0  }
0x39: {  	[tilespmem:s25], [sflag:s29] =	stream.indirect.gather [hbm4b:s2+s13], $0x130, s0, s13, $0xb8;
	[tilespmem:$0xBEA0] =	vst v63  }
0x3a: {  	p0 =	sne.s32 s28, $0x140;
	s30 =	smov.u32 s22;
	_ =	swait.ge [sflag:s29], $0x5F00  }
.Ltmp0:
0x3b: {  	p1 =	sgt.u32 s24, $0x13D;
	[sflag:s29] =	ssyncset.done $0x0;
	(pc) =	sbr.rel @p0 .LBB2_2-.Ltmp0, $4  }
0x3c: {  	s24 =	simm.s32 @!p1 $0x0;
	[sflag:s29] =	ssyncadd.s32 $0xFFFFA100;
	s29 =	sadd.s32 $0x5, s26  }
0x3d: {  	[tilespmem:s0], [sflag:s31] =	stream.linear.gather @!p1 [hbm4b:s23+s24], $0x50, $0x38;
	[tilespmem:$0xBEA0] =	vst v63  }
0x3e: {  	s23 =	sadd.s32 $0xA, s23;
	s24 =	smov.u32 s1;
	_ =	swait.ge [sflag:s29], $0x5F00  }
0x3f: {  	s22 =	sadd.s32 $0xBE0, s22;
	s26 =	sand.u32 $0x1, s24;
	[sflag:s29] =	ssyncset.done $0x0  }
0x40: {  	s0 =	sadd.s32 $0x1, s26;
	s1 =	smul.u32 $0x17C00, s26;
	[sflag:s29] =	ssyncadd.s32 $0xFFFFA100  }
0x41: {  	[hbm4b:s30+s3] =	stream.linear.scatter [tilespmem:s25], [sflag:s29], $0x5F00, $0x38;
	[tilespmem:$0xBEA0] =	vst v63  }
0x42: {  	s30 =	smul.u32 $0x140, s26;
	_ =	swait.ge [sflag:s0], $0x50  }
0x43: {  	s28 =	sadd.s32 $0x3, s26;
	s1 =	sshrl.u32 s1, $0x2;
	[sflag:s0] =	ssyncset.done $0x0  }
0x44: {  	s1 =	sor.u32 $0xA0, s1;
	s25 =	sshrl.u32 s30, $0x2;
	[sflag:s0] =	ssyncadd.s32 $0xFFFFFFB0  }
0x45: {  	[tilespmem:s1], [sflag:s28] =	stream.indirect.gather [hbm4b:s2+s13], $0x130, s25, s13, $0xb8;
	[tilespmem:$0xBEA0] =	vst v63  }
0x46: {  	_ =	swait.ge [sflag:s28], $0x5F00  }
0x47: {  	p0 =	sgt.u32 s24, $0x13D;
	[sflag:s28] =	ssyncset.done $0x0  }
0x48: {  	s31 =	sadd.s32 $0x5, s26;
	s24 =	simm.s32 @!p0 $0x0;
	[sflag:s28] =	ssyncadd.s32 $0xFFFFA100  }
0x49: {  	[tilespmem:s25], [sflag:s0] =	stream.linear.gather @!p0 [hbm4b:s23+s24], $0x50, $0x38;
	[tilespmem:$0xBEA0] =	vst v63  }
0x4a: {  	_ =	swait.ge [sflag:s31], $0x5F00  }
0x4b: {  	[sflag:s31] =	ssyncset.done $0x0  }
0x4c: {  	s21 =	sadd.s32 $0x1, s21;
	[sflag:s31] =	ssyncadd.s32 $0xFFFFA100  }
0x4d: {  	[hbm4b:s22+s3] =	stream.linear.scatter [tilespmem:s1], [sflag:s31], $0x5F00, $0x38;
	[tilespmem:$0xBEA0] =	vst v63  }
0x4e: {  	p0 =	sne.s32 s21, s6;
	_ =	swait.ge [sflag:s19], $0x5F00  }
.Ltmp1:
0x4f: {  	[sflag:s19] =	ssyncset.done $0x0;
	(pc) =	sbr.rel @p0 .LBB2_1-.Ltmp1, $4  }
0x50: {  	[sflag:s19] =	ssyncadd.s32 $0xFFFFA100  }
0x51: {  	_ =	swait.ge [sflag:s20], $0x5F00  }
0x52: {  	[sflag:s20] =	ssyncset.done $0x0  }
0x53: {  	[sflag:s20] =	ssyncadd.s32 $0xFFFFA100  }
0x54: {  	_ =	sfence.sel $0x180000  }
0x55: {  	[bflag:$0x0] =	sbarrier.arrive $0xFFFF  }
0x56: {  	_ =	strace $0x90000047  }
0x57: {  	s0 =	stileid.u32;
	[bflag:$0x2] =	sbarrier.arrive $0xFFFF  }
0x58: {  	p0 =	sne.s32 s0, $0x0;
	s0 =	rddreg [dreg:$0x2]  }
0x59: {  	s0 =	sadd.s32 @!p0 $0x100000, s0  }
0x5a: {  	[sflag:s0] =	ssyncadd.tile.s32 @!p0 $0x1;
	_ =	shalt  }
.Lfunc_end2:
_tile_overlayer_lowered:
.L_overlay_start_2:
0x5b: {  	(tag) =	ssettag $0x2  }
0x5c: {  	s0 =	rddreg [dreg:$0x0];
	s2 =	stileid.u32  }
0x5d: {  	s1 =	rddreg [dreg:$0x1];
	p0 =	sne.s32 s2, $0x0  }
0x5e: {  	s3 =	rddreg [dreg:$0x2];
	[bflag:$0x3] =	sbarrier.arrive $0xFFFF;
	s2 =	simm.s32 @!p0 $0x1C07  }
0x5f: {  	[timem:s3], [sflag:s2] =	dma.local @!p0 [hbm:s0], s1  }
0x60: {  	s0 =	simm.s32 @!p0 $0x7  }
0x61: {  	_ =	swait.ge @!p0 [sflag:s0], s1  }
0x62: {  	s1 =	ssub.s32 @!p0 $0x0, s1;
	[sflag:s0] =	ssyncset.done @!p0 $0x0  }
0x63: {  	[sflag:s0] =	ssyncadd.s32 @!p0 s1  }
0x64: {  	[bflag:$0x3] =	sbarrier.arrive $0xFFFF  }
0x65: {  	_ =	shalt  }

// kernel: sparse-core-data-format-call.cloned.1.call-start
scs
called_computation_lowered:
.L_overlay_start_0:
0x0: {  	s2 =	sld [smem:$0x3FD9]  }
0x1: {  	s3 =	sld [smem:$0x3FFE];
	_ =	sdelay $0x1  }
0x2: {  	s1 =	srdreg.scid  }
0x3: {  	s0 =	sand.u32 $0x1, s1  }
0x4: {  	s18 =	sshll.u32 s0, $0xA;
	s2 =	sadd.s32 s3, s2  }
0x5: {  	s2 =	sadd.s32 s2, s18  }
0x6: {  	[smem:$0x3FC6] =	sst s2  }
0x7: {  	_ = 	snop  }
0x8: {  	s2 =	sld [smem:$0x3FD0];
	(tm) =	ssettm $0x1  }
0x9: {  	s19 =	sld [smem:$0x3FFB];
	_ =	sdelay $0x3  }
0xa: {  	_ =	strace s19  }
0xb: {  	s3 =	sld [smem:$0x3FFC];
	_ =	sdelay $0x3  }
0xc: {  	_ =	strace s3  }
0xd: {  	s3 =	sld [smem:$0x3FFD];
	_ =	sdelay $0x3  }
0xe: {  	_ =	strace s3  }
0xf: {  	_ =	strace $0x8FFFFFFF  }
0x10: {  	s20 =	sld [smem:$0x3FDB];
	_ =	sdelay $0x1  }
0x11: {  	s4 =	simm.s32 $_scs_section_size  }
0x12: {  	s5 =	simm.s32 $_size__tile_overlayer_lowered;
	s6 =	simm.s32 $_tile_overlayer_lowered  }
0x13: {  	s23 =	simm.s32 $0x1BFF;
	s22 =	sshll.u32 s6, $0x1;
	s3 =	sadd.s32 s4, s20  }
0x14: {  	s7 =	simm.s32 $0x0;
	s21 =	sshll.u32 s5, $0x1;
	s5 =	sadd.s32 s22, s3  }
0x15: {  	[timem:s7], [sflag:s23] =	dma.local [hbm:s5], s21  }
0x16: {  	_ =	swait.ge [sflag:s23], s21  }
0x17: {  	s4 =	ssub.s32 $0x0, s21;
	[sflag:s23] =	ssyncset.done $0x0  }
0x18: {  	[sflag:s23] =	ssyncadd.s32 s4;
	_ =	sdelay $0x1  }
0x19: {  	s24 =	simm.s32 $0x1B8B  }
0x1a: {  	_ =	swait.ge [sflag:s24], $0x1  }
0x1b: {  	[sflag:s24] =	ssyncset.done $0x0  }
0x1c: {  	s26 =	simm.s32 $0x1B8E;
	s25 =	sld [smem:$0x3FFE];
	[sflag:s24] =	ssyncadd.s32 $0xFFFFFFFF  }
0x1d: {  	s27 =	simm.s32 $execute0_lowered;
	[smem:$0x3FD2] =	sst s26  }
0x1e: {  	s5 =	sshll.u32 s27, $0x1;
	_ =	strace $0x80000049;
	[dreg:$0x1] =	wrdreg $0xFFFFFFFF  }
0x1f: {  	s28 =	simm.s32 $_size_execute0_lowered;
	s3 =	sadd.s32 s3, s5;
	[dreg:$0x0] =	wrdreg $0x0  }
0x20: {  	s5 =	sshll.u32 s28, $0x1;
	[dreg:$0x2] =	wrdreg s3  }
0x21: {  	[dreg:$0x3] =	wrdreg s5  }
0x22: {  	[dreg:$0x4] =	wrdreg $0xC0  }
0x23: {  	_ =	task [dreg:s7], $0x5FFFF  }
0x24: {  	[dreg:$0x1] =	wrdreg $0xFFFFFFFF  }
0x25: {  	[dreg:$0x0] =	wrdreg $0x60  }
0x26: {  	[dreg:$0x2] =	wrdreg s25  }
0x27: {  	[dreg:$0x3] =	wrdreg s2  }
0x28: {  	[dreg:$0x4] =	wrdreg $0x9  }
0x29: {  	_ =	task.clear_ibuf [dreg:s7], $0x5FFFF;
	_ =	strace $0x90000049  }
0x2a: {  	s29 =	simm.s32 $0x9;
	_ =	strace $0x8000004B  }
0x2b: {  	_ =	swait.ge [sflag:s29], $0x1  }
0x2c: {  	[sflag:s29] =	ssyncadd.s32 $0xFFFFFFFF  }
0x2d: {  	_ =	strace $0x9000004B  }
0x2e: {  	_ =	sfence  }
0x2f: {  	s30 =	sld [smem:$0x0];
	_ =	sdelay $0x2  }
0x30: {  	s31 =	sshll.u32 s1, $0xD;
	s1 =	sshrl.u32 s1, $0x2  }
0x31: {  	s3 =	sand.u32 $0x4000, s31;
	s1 =	sadd.s32 s1, s30  }
0x32: {  	s0 =	sor.u32 s3, s0;
	s1 =	sshll.u32 s1, $0x11  }
0x33: {  	s0 =	sor.u32 s1, s0  }
0x34: {  	s0 =	sadd.s32 $0x8F2B, s0  }
0x35: {  	[sflag:s0] =	ssyncadd.remote.s32 $0x1  }
0x36: {  	_ =	sfence.sel $0xFFFF  }
0x37: {  	[dreg:$0x0] =	wrdreg $0xFFFFFFFF;
	(pc) =	sbr.abs _section_cstart, $3  }
0x38: {  	[dreg:$0x1] =	wrdreg $0xFFFFFFFF  }
0x39: {  	_ =	task.clear_ibuf [dreg:s7], $0x2FFFF;
	_ =	strace $0x9FFFFFFF  }
0x3a: {  	(tm) =	ssettm $0x7FFFFFFF  }
0x3b: {  	_ =	shalt  }
tec
execute0_lowered:
.L_overlay_start_1:
0x0: {  	(tag) =	ssettag $0x1  }
0x1: {  	s0 =	srdreg.scid;
	s6 =	rddreg [dreg:$0x0]  }
0x2: {  	s3 =	rddreg [dreg:$0x1];
	s1 =	sshll.u32 s0, $0x4  }
0x3: {  	s5 =	simm.s32 $0x1;
	s0 =	stileid.u32;
	s1 =	sand.u32 $0x10, s1  }
0x4: {  	s31 =	simm.s32 $0x2;
	s18 =	simm.s32 $0x0;
	s1 =	sor.u32 s0, s1  }
0x5: {  	s8 =	simm.s32 $0xC8000;
	s17 =	simm.s32 $0x0;
	s2 =	sshll.u32 s1, $0x7  }
0x6: {  	s16 =	simm.s32 $0x0;
	s9 =	simm.s32 $0x0;
	s4 =	ssub.s32 $0x1000, s2  }
0x7: {  	s10 =	simm.s32 $0x0;
	s11 =	simm.s32 $0x0;
	s30 =	sand.u32 $0xF80, s4  }
0x8: {  	s12 =	simm.s32 $0x0;
	s13 =	simm.s32 $0x0;
	p0 =	sne.s32 s30, $0x0  }
.Ltmp0:
0x9: {  	s7 =	sshrl.u32 s4, $0xC;
	s5 =	simm.s32 @!p0 $0x0;
	(pc) =	sbr.rel .LBB1_1-.Ltmp0, $4  }
0xa: {  	s15 =	simm.s32 $0x0;
	s1 =	rddreg [dreg:$0x2];
	s5 =	sadd.s32 s5, s7  }
0xb: {  	_ =	strace $0x8000004A;
	s4 =	simm.s32 $0x1;
	s5 =	smul.u32 $0x258, s5  }
0xc: {  	s6 =	sadd.s32 $0x1DC9800, s6;
	s14 =	smov.u32 s2;
	[sflag:s4] =	ssyncpa.u1 $0x0  }
0xd: {  	[sflag:s31] =	ssyncpa.u1 $0x0;
	p0 =	por $0x0, $0x0;
	s7 =	sor.u32 $0x1, s5  }
.LBB1_4:
0xe: {  	s23 =	sshra.s32 s23, $0x2;
	s24 =	sshll.u32 s10, $0xC  }
0xf: {  	p1 =	sgt.s32 s10, $0xC7;
	s26 =	smov.u32 s10;
	s27 =	sshra.s32 s10, $0x1F  }
0x10: {  	s28 =	smov.u32 s9;
	s29 =	sshra.s32 s11, $0x1F;
	s22 =	sadd.s32 s23, s22  }
0x11: {  	s30 =	sand.u32 $0xFFFF8000, s24;
	s24 =	sshll.u32 s11, $0x3;
	s26 =	simm.s32 @!p1 $0xC7  }
0x12: {  	p1 =	sgt.s32 s9, $0xAC;
	s27 =	sand.u32 s27, s10;
	s31 =	sand.u32 s29, s11  }
0x13: {  	s29 =	sshll.u32 s10, $0x7;
	s25 =	sand.u32 $0xFFFFFC00, s24;
	s28 =	simm.s32 @!p1 $0xAC  }
0x14: {  	p1 =	sgt.s32 s11, $0xF80;
	s23 =	sadd.s32 s25, s30;
	s25 =	ssub.s32 s26, s27  }
0x15: {  	[tilespmem:s21+$0x2040 ss:$0x81] =	vst.msk $0xffff, v4;
	s27 =	smov.u32 s11;
	s30 =	sshra.s32 s9, $0x1F;
	s26 =	sadd.s32 $0xFFFFFF39, s25  }
0x16: {  	v5 =	vld [tilespmem:s20+$0xFFFFFFD0];
	[tilespmem:s21+$0x2850 ss:$0x81] =	vst.msk $0xffff, v3;
	s27 =	simm.s32 @!p1 $0xF80;
	s23 =	sshrl.u32 s23, $0xC;
	s25 =	ssub.s32 $0xC8, s25  }
0x17: {  	v58 =	vld [tilespmem:s20+$0xFFFFFFE0];
	[tilespmem:s21+$0x3060 ss:$0x81] =	vst.msk $0xffff, v2;
	p1 =	sgt.s32 s26, $0x0;
	s26 =	ssub.s32 s27, s31;
	s27 =	sand.u32 s30, s9  }
0x18: {  	v59 =	vld [tilespmem:s20+$0xFFFFFFF0];
	[tilespmem:s21+$0x0 ss:$0x81] =	vst.msk $0xffff, v1;
	s21 =	smulhi.u32 $0x147AE15, s23;
	s30 =	sand.u32 $0x78, s11;
	s27 =	ssub.s32 s28, s27  }
0x19: {  	v60 =	vld [tilespmem:s20+$0x0];
	s25 =	simm.s32 @p1 $0x0;
	s31 =	sadd.s32 $0xFFFFF080, s26;
	s26 =	ssub.s32 $0x1000, s26  }
0x1a: {  	v61 =	vld [tilespmem:s20+$0x10];
	[tilespmem:s22+$0x3870 ss:$0x81] =	vst.msk $0xffff, v0;
	p1 =	sgt.s32 s31, $0x7F;
	s28 =	sadd.s32 $0xFFFFFF54, s27;
	s31 =	sand.u32 $0x380, s29  }
0x1b: {  	v62 =	vld [tilespmem:s20+$0x20];
	[tilespmem:s22+$0x810 ss:$0x81] =	vst.msk $0xffff, v5;
	s29 =	sand.u32 $0xC00, s24;
	s21 =	smul.u32 $0xC8, s21;
	s24 =	ssub.s32 $0x12C, s27  }
0x1c: {  	v63 =	vld [tilespmem:s20+$0xFFFFFFC0];
	[tilespmem:s22+$0x1020 ss:$0x81] =	vst.msk $0xffff, v58;
	s26 =	simm.s32 @p1 $0x0;
	s20 =	sor.u32 s30, s29;
	s30 =	smul.u32 $0x19000, s9  }
0x1d: {  	[tilespmem:s22+$0x1830 ss:$0x81] =	vst.msk $0xffff, v59;
	p1 =	sgt.s32 s28, $0x7F;
	s28 =	sand.u32 $0x7, s11;
	s25 =	smul.u32 s26, s25  }
0x1e: {  	[tilespmem:s22+$0x2040 ss:$0x81] =	vst.msk $0xffff, v60;
	s24 =	simm.s32 @p1 $0x0;
	s20 =	sor.u32 s31, s20;
	s21 =	ssub.s32 s23, s21  }
0x1f: {  	[tilespmem:s22+$0x2850 ss:$0x81] =	vst.msk $0xffff, v61;
	s20 =	sshrl.u32 s20, $0x3;
	s27 =	sadd.s32 s3, s30;
	s31 =	smul.u32 s24, s25  }
0x20: {  	[tilespmem:s22+$0x3060 ss:$0x81] =	vst.msk $0xffff, v62;
	s29 =	sshll.u32 s28, $0x12;
	s21 =	sshll.u32 s21, $0x9;
	s20 =	sadd.s32 s20, s27  }
0x21: {  	[tilespmem:s22+$0x0 ss:$0x81] =	vst.msk $0xffff, v63;
	s20 =	sadd.s32 s21, s20;
	s30 =	sand.u32 $0x3FFFFFFF, s31;
	s31 =	sor.u32 $0x80, s29  }
0x22: {  	[hbm4b:s20+s31] =	stream.strided.scatter [tilespmem:s19], [sflag:$0x2], s30, s8, s31, $0x20;
	[tilespmem:$0x10100] =	vst v63  }
.LBB1_5:
0x23: {  	p1 =	slt.u32 s15, $0x2  }
0x24: {  	p2 =	sgt.s32 @!p1 s18, $0xAC  }
0x25: {  	s19 =	smov.u32 s18;
	s20 =	sshra.s32 @!p1 s18, $0x1F;
	p2 =	por !p2, p1  }
0x26: {  	s18 =	sand.u32 @!p1 s20, s18;
	s19 =	simm.s32 @p2 $0xAC  }
0x27: {  	s20 =	sshra.s32 @!p1 s17, $0x1F;
	p2 =	sgt.s32 @!p1 s17, $0xC7;
	s18 =	ssub.s32 @!p1 s19, s18  }
0x28: {  	p2 =	por !p2, p1;
	s19 =	smov.u32 s17;
	s17 =	sand.u32 @!p1 s20, s17  }
0x29: {  	s20 =	sshra.s32 @!p1 s16, $0x1F;
	s19 =	simm.s32 @p2 $0xC7;
	p2 =	sgt.s32 @!p1 s16, $0xF80  }
0x2a: {  	s17 =	ssub.s32 @!p1 s19, s17;
	p2 =	por !p2, p1;
	s19 =	smov.u32 s16  }
0x2b: {  	s16 =	sand.u32 @!p1 s20, s16;
	s20 =	sadd.s32 @!p1 $0xFFFFFF39, s17;
	s19 =	simm.s32 @p2 $0xF80  }
0x2c: {  	p2 =	sgt.s32 @!p1 s20, $0x0;
	s16 =	ssub.s32 @!p1 s19, s16  }
0x2d: {  	s17 =	ssub.s32 @!p1 $0xC8, s17;
	p2 =	por !p2, p1;
	s19 =	sadd.s32 @!p1 $0xFFFFF080, s16  }
0x2e: {  	s17 =	simm.s32 @!p2 $0x0;
	p2 =	sgt.s32 @!p1 s19, $0x7F  }
0x2f: {  	s21 =	smov.u32 s14;
	s16 =	ssub.s32 @!p1 $0x1000, s16;
	p2 =	por !p2, p1  }
0x30: {  	s20 =	sadd.s32 @!p1 $0xFFFFFF54, s18;
	s19 =	sadd.s32 $0x80, s12;
	s16 =	simm.s32 @!p2 $0x0  }
0x31: {  	p2 =	sgt.s32 s19, $0x12B;
	s16 =	smul.u32 @!p1 s16, s17;
	s17 =	simm.s32 $0x1  }
0x32: {  	p0 =	por !p0, !p0;
	p3 =	sgt.s32 @!p1 s20, $0x7F;
	s17 =	simm.s32 @!p2 $0x0  }
0x33: {  	s18 =	ssub.s32 @!p1 $0x12C, s18;
	p3 =	por !p3, p1;
	s20 =	sadd.s32 s17, s13  }
0x34: {  	s18 =	simm.s32 @!p3 $0x0;
	s17 =	sadd.s32 $0x1000, s14;
	p3 =	sgt.s32 s20, $0xC7  }
0x35: {  	s22 =	simm.s32 @!p1 $0x2;
	s19 =	simm.s32 @p2 $0x0;
	s21 =	smov.u32 @p3 s17  }
0x36: {  	s16 =	smul.u32 @!p1 s18, s16;
	s18 =	smov.u32 s9;
	p2 =	sgt.s32 s21, $0xFFF  }
0x37: {  	s9 =	smov.u32 s12;
	s21 =	smov.u32 @p2 s2;
	p2 =	sne.s32 s15, s7  }
.Ltmp1:
0x38: {  	s12 =	smov.u32 s19;
	s16 =	sand.u32 @!p1 $0x3FFFFFFF, s16;
	(pc) =	sbr.rel @!p2 .LBB1_6-.Ltmp1, $4  }
0x39: {  	s20 =	simm.s32 @p3 $0x0;
	s17 =	smov.u32 s10;
	s10 =	smov.u32 s13  }
0x3a: {  	_ =	swait.ge @!p1 [sflag:s22], s16;
	s23 =	ssub.s32 @!p1 $0x0, s16;
	s16 =	smov.u32 s11  }
0x3b: {  	s11 =	smov.u32 s14;
	s13 =	smov.u32 s20;
	[sflag:s22] =	ssyncset.done @!p1 $0x0  }
0x3c: {  	s15 =	sadd.s32 $0x1, s15;
	[sflag:s22] =	ssyncadd.s32 @!p1 s23;
	s14 =	smov.u32 s21  }
.LBB1_1:
0x3d: {  	p1 =	sge.u32 s15, s5  }
0x3e: {  	s19 =	sshrl.u32 @!p1 s13, $0x3  }
0x3f: {  	s20 =	sshll.u32 @!p1 s12, $0x3;
	s19 =	smul.u32 @!p1 $0xC00, s19  }
0x40: {  	s21 =	sshll.u32 @!p1 s13, $0x7;
	s20 =	sand.u32 @!p1 $0xFFFFFC00, s20  }
0x41: {  	s19 =	sadd.s32 @!p1 s19, s20;
	s20 =	sand.u32 @!p1 $0x380, s21  }
0x42: {  	s19 =	sor.u32 @!p1 s20, s19  }
0x43: {  	s20 =	sand.u32 @!p1 $0x7F, s12;
	s21 =	smulhi.u32 @!p1 $0xAAAAAAAB, s19  }
0x44: {  	s19 =	sor.u32 @!p1 s20, s19  }
0x45: {  	s20 =	smulhi.u32 @!p1 $0xAAAAAAAB, s19;
	s21 =	sshrl.u32 @!p1 s21, $0x8  }
0x46: {  	s22 =	smulhi.u32 @!p1 $0x147AE15, s21;
	_ =	sdelay $0x1  }
0x47: {  	s20 =	sshrl.u32 @!p1 s20, $0x8;
	s22 =	smul.u32 @!p1 $0xC8, s22  }
0x48: {  	s31 =	sadd.s32 $0xFFFFFFFF, s15;
	s20 =	smul.u32 @!p1 $0x180, s20  }
0x49: {  	s23 =	sxor.u32 @!p1 $0xFFFFFFFF, s15;
	s21 =	ssub.s32 @!p1 s21, s22;
	s22 =	smul.u32 @!p1 $0x2580, s14  }
0x4a: {  	s23 =	sshll.u32 @!p1 s23, $0xE;
	s19 =	ssub.s32 @!p1 s19, s20;
	s20 =	smul.u32 @!p1 $0x30, s21  }
0x4b: {  	s21 =	sand.u32 @!p1 $0x4000, s23;
	s23 =	sand.u32 @!p1 $0x7, s19;
	s22 =	sadd.s32 @!p1 s6, s22  }
0x4c: {  	s19 =	sshrl.u32 @!p1 s19, $0x3;
	s20 =	sadd.s32 @!p1 s20, s22;
	s22 =	sshll.u32 @!p1 s23, $0x12  }
0x4d: {  	s19 =	sadd.s32 @!p1 s19, s20;
	s20 =	sor.u32 @!p1 $0x80, s22;
	s22 =	simm.s32 @!p1 $0x12C00  }
0x4e: {  	[tilespmem:s21], [sflag:$0x1] =	stream.strided.gather @!p1 [hbm4b:s19+s20], $0x4000, s22, s20, $0x38;
	[tilespmem:$0x10100] =	vst v63  }
0x4f: {  	p1 =	sge.u32 s31, s5  }
.Ltmp2:
0x50: {  	_ = 	snop;
	(pc) =	sbr.rel @p1 .LBB1_5-.Ltmp2, $1  }
0x51: {  	_ =	sdelay $0x3  }
0x52: {  	s19 =	simm.s32 $0x1  }
0x53: {  	_ =	swait.ge [sflag:s4], $0x4000;
	s19 =	simm.s32 @!p0 $0x0  }
0x54: {  	[sflag:s4] =	ssyncset.done $0x0;
	s20 =	sshll.u32 s19, $0xE  }
0x55: {  	[sflag:s4] =	ssyncadd.s32 $0xFFFFC000;
	s20 =	sor.u32 $0x40, s20  }
0x56: {  	s19 =	smul.u32 $0x10200, s19;
	v0 =	vld [tilespmem:s20+$0x30]  }
0x57: {  	v1 =	vld [tilespmem:s20+$0xFFFFFFD0]  }
0x58: {  	s19 =	sshrl.u32 s19, $0x2;
	v5 =	vld [tilespmem:s20+$0xFFFFFFE0]  }
0x59: {  	v6 =	vld [tilespmem:s20+$0xFFFFFFF0];
	s22 =	sor.u32 $0x8000, s19  }
0x5a: {  	s31 =	sand.u32 $0x1, s15;
	v4 =	vld [tilespmem:s20+$0x0];
	s21 =	sadd.s32 $0x0, s22  }
0x5b: {  	v3 =	vld [tilespmem:s20+$0x10];
	s19 =	smul.u32 $0x10200, s31;
	[tilespmem:s21+$0x3870 ss:$0x81] =	vst.msk $0xffff, v0  }
0x5c: {  	v2 =	vld [tilespmem:s20+$0x20];
	[tilespmem:s21+$0x810 ss:$0x81] =	vst.msk $0xffff, v1  }
0x5d: {  	s19 =	sshrl.u32 s19, $0x2;
	v1 =	vld [tilespmem:s20+$0xFFFFFFC0];
	[tilespmem:s21+$0x1020 ss:$0x81] =	vst.msk $0xffff, v5;
	s20 =	sadd.s32 $0x80, s20  }
0x5e: {  	s23 =	simm.s32 $0x4;
	s24 =	simm.s32 $0x8;
	s19 =	sor.u32 $0x8000, s19;
	[tilespmem:s21+$0x1830 ss:$0x81] =	vst.msk $0xffff, v6;
	v0 =	vld [tilespmem:s20+$0x30]  }
.LBB1_3:
0x5f: {  	p1 =	sne.s32 s24, $0x1FC;
	v5 =	vld [tilespmem:s20+$0xFFFFFFD0];
	[tilespmem:s21+$0x2040 ss:$0x81] =	vst.msk $0xffff, v4  }
0x60: {  	v6 =	vld [tilespmem:s20+$0xFFFFFFE0];
	[tilespmem:s21+$0x2850 ss:$0x81] =	vst.msk $0xffff, v3  }
0x61: {  	s25 =	sshra.s32 s23, $0x2;
	s23 =	smov.u32 s24;
	v7 =	vld [tilespmem:s20+$0xFFFFFFF0];
	[tilespmem:s21+$0x3060 ss:$0x81] =	vst.msk $0xffff, v2  }
.Ltmp3:
0x62: {  	v4 =	vld [tilespmem:s20+$0x0];
	[tilespmem:s21+$0x0 ss:$0x81] =	vst.msk $0xffff, v1;
	s21 =	sadd.s32 s25, s22;
	(pc) =	sbr.rel @p1 .LBB1_3-.Ltmp3, $4  }
0x63: {  	v3 =	vld [tilespmem:s20+$0x10];
	[tilespmem:s21+$0x3870 ss:$0x81] =	vst.msk $0xffff, v0  }
0x64: {  	[tilespmem:s21+$0x810 ss:$0x81] =	vst.msk $0xffff, v5;
	v2 =	vld [tilespmem:s20+$0x20]  }
0x65: {  	v1 =	vld [tilespmem:s20+$0xFFFFFFC0];
	[tilespmem:s21+$0x1020 ss:$0x81] =	vst.msk $0xffff, v6;
	s20 =	sadd.s32 $0x80, s20  }
0x66: {  	s24 =	sadd.s32 $0x4, s24;
	v0 =	vld [tilespmem:s20+$0x30];
	[tilespmem:s21+$0x1830 ss:$0x81] =	vst.msk $0xffff, v7  }
.Ltmp4:
0x67: {  	_ = 	snop;
	(pc) =	sbr.rel .LBB1_4-.Ltmp4, $1  }
0x68: {  	_ =	sdelay $0x3  }
.LBB1_6:
0x69: {  	_ =	sfence.sel $0x180000  }
0x6a: {  	s2 =	simm.s32 $0x1;
	[bflag:$0x0] =	sbarrier.arrive $0xFFFF  }
0x6b: {  	s31 =	simm.s32 $0x2;
	[sflag:s2] =	ssyncpa.u1 $0x1  }
0x6c: {  	[sflag:s31] =	ssyncpa.u1 $0x1  }
0x6d: {  	p0 =	sne.s32 s0, $0x0;
	_ =	strace $0x9000004A  }
0x6e: {  	s0 =	sadd.s32 @!p0 $0x100000, s1;
	[bflag:$0x2] =	sbarrier.arrive $0xFFFF  }
0x6f: {  	[sflag:s0] =	ssyncadd.tile.s32 @!p0 $0x1;
	_ =	shalt  }
.Lfunc_end1:
_tile_overlayer_lowered:
.L_overlay_start_2:
0x70: {  	(tag) =	ssettag $0x2  }
0x71: {  	s0 =	rddreg [dreg:$0x0];
	s2 =	stileid.u32  }
0x72: {  	s1 =	rddreg [dreg:$0x1];
	p0 =	sne.s32 s2, $0x0  }
0x73: {  	s3 =	rddreg [dreg:$0x2];
	[bflag:$0x3] =	sbarrier.arrive $0xFFFF;
	s2 =	simm.s32 @!p0 $0x1C01  }
0x74: {  	[timem:s3], [sflag:s2] =	dma.local @!p0 [hbm:s0], s1  }
0x75: {  	s0 =	simm.s32 @!p0 $0x1  }
0x76: {  	_ =	swait.ge @!p0 [sflag:s0], s1  }
0x77: {  	s1 =	ssub.s32 @!p0 $0x0, s1;
	[sflag:s0] =	ssyncset.done @!p0 $0x0  }
0x78: {  	[sflag:s0] =	ssyncadd.s32 @!p0 s1  }
0x79: {  	[bflag:$0x3] =	sbarrier.arrive $0xFFFF  }
0x7a: {  	_ =	shalt  }

</sc_bundles>
